<compile_context>
chip_gen: v7x
topology: tpu7x:2x2x1
jax: 0.10.2.dev20260603
libtpu: 0.0.44.dev20260713+nightly
codegen_flags: <defaults>
</compile_context>

<pallas_src>
import functools

import jax
import jax.numpy as jnp
from jax import lax
from jax.experimental import pallas as pl
from jax.experimental.pallas import tpu as pltpu
from jax.experimental.pallas import tpu_sc as plsc

_LATENT = 3
_D = _LATENT * 64 * 64
_B = 4096
_NC = 2
_NS = 16
_NW = _NC * _NS
_BPW = _B // _NW
_CH = 2
_NBUF = 4
_NCHUNK = _BPW // _CH


def _build_gather():
    mesh = plsc.VectorSubcoreMesh(core_axis_name="c", subcore_axis_name="s")

    @functools.partial(
        pl.kernel,
        mesh=mesh,
        out_type=jax.ShapeDtypeStruct((_B, _D), jnp.float32),
        scratch_types=[
            pltpu.VMEM((_NCHUNK, _CH), jnp.int32),
            pltpu.VMEM((_NBUF, _CH, _D), jnp.float32),
            pltpu.SemaphoreType.DMA,
            pltpu.SemaphoreType.DMA,
        ],
    )
    def gather(idx_hbm, table_hbm, out_hbm, idx_v, rows_v, gsem, ssem):
        wid = lax.axis_index("s") * _NC + lax.axis_index("c")
        base = wid * _BPW
        pltpu.sync_copy(idx_hbm.at[wid], idx_v)
        for b in range(_NBUF - 1):
            pltpu.async_copy(table_hbm.at[idx_v.at[b]], rows_v.at[b], gsem)

        def body(g, carry):
            buf = lax.rem(g, _NBUF)
            pltpu.make_async_copy(
                table_hbm.at[idx_v.at[g]], rows_v.at[buf], gsem
            ).wait()

            pltpu.async_copy(
                rows_v.at[buf], out_hbm.at[pl.ds(base + g * _CH, _CH)], ssem
            )

            @pl.when(g >= 1)
            def _drain_prev():
                pltpu.make_async_copy(
                    rows_v.at[buf], out_hbm.at[pl.ds(base, _CH)], ssem
                ).wait()

            @pl.when(g + _NBUF - 1 < _NCHUNK)
            def _start_next():
                nb = lax.rem(g + _NBUF - 1, _NBUF)
                pltpu.async_copy(
                    table_hbm.at[idx_v.at[g + _NBUF - 1]], rows_v.at[nb], gsem
                )

            return carry

        lax.fori_loop(0, _NCHUNK, body, 0)
        pltpu.make_async_copy(
            rows_v.at[0], out_hbm.at[pl.ds(base, _CH)], ssem
        ).wait()

    return gather


_GATHER = _build_gather()


def kernel(x, table):
    idx = x.astype(jnp.int32).reshape(_NW, _NCHUNK, _CH)
    out = _GATHER(idx, table)
    return out.reshape(-1, _LATENT, 64, 64)

# --- scband reference (transcript-rebuilt; emitter-appended) ---
"""Pipeline reference for scband-discriminator-embedding-10256381902925 (READ-ONLY COPY).

The authoritative reference and input builder live on the scoring server;
editing this copy changes nothing except your own understanding.
"""

import jax, jax.numpy as jnp
import numpy as np

NUM_CLASSES = 1000
LATENT_DIMS = 3
ROW = LATENT_DIMS * 64 * 64
BATCH = 4096

def setup_inputs(seed: int = 0) -> dict:
    key = jax.random.key(seed)
    k1, k2 = jax.random.split(key)
    x = jax.random.randint(k1, (BATCH,), 0, NUM_CLASSES, dtype=jnp.int64 if jax.config.jax_enable_x64 else jnp.int32)
    table = jax.random.normal(k2, (NUM_CLASSES, ROW), dtype=jnp.float32)
    return {"x": x, "table": table}

def reference(x, table):
    emb = jnp.take(table, x, axis=0)  # [B, ROW]
    return emb.reshape(-1, LATENT_DIMS, 64, 64)

if __name__ == "__main__":
    import jax
    _d = setup_inputs()
    print(jax.jit(kernel)(*tuple(_d.values())))

</pallas_src>

<mosaic_0001>
#map = affine_map<(d0, d1) -> (0, 0, 0)>
#map1 = affine_map<(d0, d1) -> (0, 0)>
module attributes {stable_mosaic.version = 14 : i64} {
  func.func @gather(%arg0: i32, %arg1: i32, %arg2: memref<32x64x2xi32, #tpu.memory_space<hbm>>, %arg3: memref<1000x12288xf32, #tpu.memory_space<hbm>>, %arg4: memref<4096x12288xf32, #tpu.memory_space<hbm>>, %arg5: memref<64x2xi32, #tpu.memory_space<vmem>>, %arg6: memref<4x2x12288xf32, #tpu.memory_space<vmem>>, %arg7: memref<!tpu.dma_semaphore, #tpu.memory_space<semaphore_mem>>, %arg8: memref<!tpu.dma_semaphore, #tpu.memory_space<semaphore_mem>>) attributes {dimension_semantics = [#tpu.dimension_semantics<core_parallel>, #tpu.dimension_semantics<subcore_parallel>], iteration_bounds = array<i64: 2, 16>, scalar_prefetch = 0 : i64, scratch_operands = 4 : i64, tpu.core_type = #tpu.core_type<sc_vector_subcore>, window_params = [{transform_indices = #map}, {transform_indices = #map1}, {transform_indices = #map1}]} {
    %mul3A = arith.constant 2 : i32
    %mul3A_0 = arith.muli %arg1, %mul3A : i32
    %add3A = arith.addi %mul3A_0, %arg0 : i32
    %mul3A_1 = arith.constant 128 : i32
    %mul3A_2 = arith.muli %add3A, %mul3A_1 : i32
    "tpu.region"() ({
      %run_scoped3A = tpu.sem_alloc : memref<!tpu.dma_semaphore, #tpu.memory_space<semaphore_mem>>
      %dma_start3A_55 = arith.constant 0 : i32
      %dma_start3A_56 = arith.constant 0 : i32
      %dma_start3A_57 = tpu.memref_slice %arg2[%add3A, %dma_start3A_55, %dma_start3A_56] : memref<32x64x2xi32, #tpu.memory_space<hbm>> -> memref<1x64x2xi32, #tpu.memory_space<hbm>>
      %dma_start3A_58 = tpu.memref_squeeze %dma_start3A_57 : memref<1x64x2xi32, #tpu.memory_space<hbm>> -> memref<64x2xi32, #tpu.memory_space<hbm>>
      %dma_start3A_59 = arith.constant 0 : i32
      %dma_start3A_60 = arith.constant 0 : i32
      %dma_start3A_61 = tpu.memref_slice %arg2[%add3A, %dma_start3A_59, %dma_start3A_60] : memref<32x64x2xi32, #tpu.memory_space<hbm>> -> memref<1x64x2xi32, #tpu.memory_space<hbm>>
      %dma_start3A_62 = tpu.memref_squeeze %dma_start3A_61 : memref<1x64x2xi32, #tpu.memory_space<hbm>> -> memref<64x2xi32, #tpu.memory_space<hbm>>
      tpu.enqueue_dma source(%dma_start3A_62 : memref<64x2xi32, #tpu.memory_space<hbm>>) target(%arg5 : memref<64x2xi32, #tpu.memory_space<vmem>>) target_semaphore(%run_scoped3A : memref<!tpu.dma_semaphore, #tpu.memory_space<semaphore_mem>>)
      %dma_wait3A_63 = arith.constant 0 : i32
      %dma_wait3A_64 = arith.constant 0 : i32
      %dma_wait3A_65 = tpu.memref_slice %arg2[%add3A, %dma_wait3A_63, %dma_wait3A_64] : memref<32x64x2xi32, #tpu.memory_space<hbm>> -> memref<1x64x2xi32, #tpu.memory_space<hbm>>
      %dma_wait3A_66 = tpu.memref_squeeze %dma_wait3A_65 : memref<1x64x2xi32, #tpu.memory_space<hbm>> -> memref<64x2xi32, #tpu.memory_space<hbm>>
      %dma_wait3A_67 = arith.constant 0 : i32
      %dma_wait3A_68 = arith.constant 0 : i32
      %dma_wait3A_69 = tpu.memref_slice %arg2[%add3A, %dma_wait3A_67, %dma_wait3A_68] : memref<32x64x2xi32, #tpu.memory_space<hbm>> -> memref<1x64x2xi32, #tpu.memory_space<hbm>>
      %dma_wait3A_70 = tpu.memref_squeeze %dma_wait3A_69 : memref<1x64x2xi32, #tpu.memory_space<hbm>> -> memref<64x2xi32, #tpu.memory_space<hbm>>
      tpu.wait_dma2 semaphore(%run_scoped3A : memref<!tpu.dma_semaphore, #tpu.memory_space<semaphore_mem>>) src(%dma_wait3A_70 : memref<64x2xi32, #tpu.memory_space<hbm>>) dst(%arg5 : memref<64x2xi32, #tpu.memory_space<vmem>>)
      tpu.yield
    }) : () -> ()
    %dma_start3A = arith.constant 0 : i32
    %dma_start3A_3 = arith.constant 0 : i32
    %dma_start3A_4 = arith.constant 0 : i32
    %dma_start3A_5 = arith.constant 0 : i32
    %dma_start3A_6 = tpu.memref_slice %arg6[%dma_start3A_3, %dma_start3A_4, %dma_start3A_5] : memref<4x2x12288xf32, #tpu.memory_space<vmem>> -> memref<1x2x12288xf32, #tpu.memory_space<vmem>>
    %dma_start3A_7 = tpu.memref_squeeze %dma_start3A_6 : memref<1x2x12288xf32, #tpu.memory_space<vmem>> -> memref<2x12288xf32, #tpu.memory_space<vmem>>
    %dma_start3A_8 = arith.constant 0 : i32
    %dma_start3A_9 = tpu.memref_slice %arg5[%dma_start3A, %dma_start3A_8] : memref<64x2xi32, #tpu.memory_space<vmem>> -> memref<1x2xi32, #tpu.memory_space<vmem>>
    %dma_start3A_10 = tpu.memref_squeeze %dma_start3A_9 : memref<1x2xi32, #tpu.memory_space<vmem>> -> memref<2xi32, #tpu.memory_space<vmem>>
    %dma_start3A_11 = arith.constant 0 : i32
    %dma_start3A_12 = arith.constant 0 : i32
    %dma_start3A_13 = tpu.memref_slice %arg3[%dma_start3A_11, %dma_start3A_12] : memref<1000x12288xf32, #tpu.memory_space<hbm>> -> memref<1000x12288xf32, #tpu.memory_space<hbm>>
    tpu.enqueue_indirect_dma source(%dma_start3A_13 : memref<1000x12288xf32, #tpu.memory_space<hbm>>) target(%dma_start3A_7 : memref<2x12288xf32, #tpu.memory_space<vmem>>) offsets(%dma_start3A_10 : memref<2xi32, #tpu.memory_space<vmem>>) semaphore(%arg7 : memref<!tpu.dma_semaphore, #tpu.memory_space<semaphore_mem>>)
    %dma_start3A_14 = arith.constant 1 : i32
    %dma_start3A_15 = arith.constant 1 : i32
    %dma_start3A_16 = arith.constant 0 : i32
    %dma_start3A_17 = arith.constant 0 : i32
    %dma_start3A_18 = tpu.memref_slice %arg6[%dma_start3A_15, %dma_start3A_16, %dma_start3A_17] : memref<4x2x12288xf32, #tpu.memory_space<vmem>> -> memref<1x2x12288xf32, #tpu.memory_space<vmem>>
    %dma_start3A_19 = tpu.memref_squeeze %dma_start3A_18 : memref<1x2x12288xf32, #tpu.memory_space<vmem>> -> memref<2x12288xf32, #tpu.memory_space<vmem>>
    %dma_start3A_20 = arith.constant 0 : i32
    %dma_start3A_21 = tpu.memref_slice %arg5[%dma_start3A_14, %dma_start3A_20] : memref<64x2xi32, #tpu.memory_space<vmem>> -> memref<1x2xi32, #tpu.memory_space<vmem>>
    %dma_start3A_22 = tpu.memref_squeeze %dma_start3A_21 : memref<1x2xi32, #tpu.memory_space<vmem>> -> memref<2xi32, #tpu.memory_space<vmem>>
    %dma_start3A_23 = arith.constant 0 : i32
    %dma_start3A_24 = arith.constant 0 : i32
    %dma_start3A_25 = tpu.memref_slice %arg3[%dma_start3A_23, %dma_start3A_24] : memref<1000x12288xf32, #tpu.memory_space<hbm>> -> memref<1000x12288xf32, #tpu.memory_space<hbm>>
    tpu.enqueue_indirect_dma source(%dma_start3A_25 : memref<1000x12288xf32, #tpu.memory_space<hbm>>) target(%dma_start3A_19 : memref<2x12288xf32, #tpu.memory_space<vmem>>) offsets(%dma_start3A_22 : memref<2xi32, #tpu.memory_space<vmem>>) semaphore(%arg7 : memref<!tpu.dma_semaphore, #tpu.memory_space<semaphore_mem>>)
    %dma_start3A_26 = arith.constant 2 : i32
    %dma_start3A_27 = arith.constant 2 : i32
    %dma_start3A_28 = arith.constant 0 : i32
    %dma_start3A_29 = arith.constant 0 : i32
    %dma_start3A_30 = tpu.memref_slice %arg6[%dma_start3A_27, %dma_start3A_28, %dma_start3A_29] : memref<4x2x12288xf32, #tpu.memory_space<vmem>> -> memref<1x2x12288xf32, #tpu.memory_space<vmem>>
    %dma_start3A_31 = tpu.memref_squeeze %dma_start3A_30 : memref<1x2x12288xf32, #tpu.memory_space<vmem>> -> memref<2x12288xf32, #tpu.memory_space<vmem>>
    %dma_start3A_32 = arith.constant 0 : i32
    %dma_start3A_33 = tpu.memref_slice %arg5[%dma_start3A_26, %dma_start3A_32] : memref<64x2xi32, #tpu.memory_space<vmem>> -> memref<1x2xi32, #tpu.memory_space<vmem>>
    %dma_start3A_34 = tpu.memref_squeeze %dma_start3A_33 : memref<1x2xi32, #tpu.memory_space<vmem>> -> memref<2xi32, #tpu.memory_space<vmem>>
    %dma_start3A_35 = arith.constant 0 : i32
    %dma_start3A_36 = arith.constant 0 : i32
    %dma_start3A_37 = tpu.memref_slice %arg3[%dma_start3A_35, %dma_start3A_36] : memref<1000x12288xf32, #tpu.memory_space<hbm>> -> memref<1000x12288xf32, #tpu.memory_space<hbm>>
    tpu.enqueue_indirect_dma source(%dma_start3A_37 : memref<1000x12288xf32, #tpu.memory_space<hbm>>) target(%dma_start3A_31 : memref<2x12288xf32, #tpu.memory_space<vmem>>) offsets(%dma_start3A_34 : memref<2xi32, #tpu.memory_space<vmem>>) semaphore(%arg7 : memref<!tpu.dma_semaphore, #tpu.memory_space<semaphore_mem>>)
    %scan3A = arith.constant 0 : i32
    %scan3A_38 = arith.constant 0 : i32
    %scan3A_39 = arith.constant 64 : i32
    %scan3A_40 = arith.addi %scan3A_38, %scan3A_39 : i32
    %scan3A_41 = arith.constant 1 : i32
    scf.for %scan3A_55 = %scan3A_38 to %scan3A_40 step %scan3A_41  : i32 {
      %rem3A = arith.constant 4 : i32
      %rem3A_56 = arith.remsi %scan3A_55, %rem3A : i32
      %dma_wait3A_57 = arith.constant 0 : i32
      %dma_wait3A_58 = arith.constant 0 : i32
      %dma_wait3A_59 = tpu.memref_slice %arg6[%rem3A_56, %dma_wait3A_57, %dma_wait3A_58] : memref<4x2x12288xf32, #tpu.memory_space<vmem>> -> memref<1x2x12288xf32, #tpu.memory_space<vmem>>
      %dma_wait3A_60 = tpu.memref_squeeze %dma_wait3A_59 : memref<1x2x12288xf32, #tpu.memory_space<vmem>> -> memref<2x12288xf32, #tpu.memory_space<vmem>>
      %dma_wait3A_61 = arith.constant 0 : i32
      %dma_wait3A_62 = tpu.memref_slice %arg5[%scan3A_55, %dma_wait3A_61] : memref<64x2xi32, #tpu.memory_space<vmem>> -> memref<1x2xi32, #tpu.memory_space<vmem>>
      %dma_wait3A_63 = tpu.memref_squeeze %dma_wait3A_62 : memref<1x2xi32, #tpu.memory_space<vmem>> -> memref<2xi32, #tpu.memory_space<vmem>>
      %dma_wait3A_64 = arith.constant 0 : i32
      %dma_wait3A_65 = arith.constant 0 : i32
      %dma_wait3A_66 = tpu.memref_slice %arg3[%dma_wait3A_64, %dma_wait3A_65] : memref<1000x12288xf32, #tpu.memory_space<hbm>> -> memref<1000x12288xf32, #tpu.memory_space<hbm>>
      tpu.wait_indirect_dma semaphore(%arg7 : memref<!tpu.dma_semaphore, #tpu.memory_space<semaphore_mem>>) src(%dma_wait3A_66 : memref<1000x12288xf32, #tpu.memory_space<hbm>>) dst(%dma_wait3A_60 : memref<2x12288xf32, #tpu.memory_space<vmem>>)
      %mul3A_67 = arith.constant 2 : i32
      %mul3A_68 = arith.muli %scan3A_55, %mul3A_67 : i32
      %add3A_69 = arith.addi %mul3A_2, %mul3A_68 : i32
      %dma_start3A_70 = arith.constant 0 : i32
      %dma_start3A_71 = arith.constant 0 : i32
      %dma_start3A_72 = tpu.memref_slice %arg6[%rem3A_56, %dma_start3A_70, %dma_start3A_71] : memref<4x2x12288xf32, #tpu.memory_space<vmem>> -> memref<1x2x12288xf32, #tpu.memory_space<vmem>>
      %dma_start3A_73 = tpu.memref_squeeze %dma_start3A_72 : memref<1x2x12288xf32, #tpu.memory_space<vmem>> -> memref<2x12288xf32, #tpu.memory_space<vmem>>
      %dma_start3A_74 = arith.constant 0 : i32
      %dma_start3A_75 = tpu.memref_slice %arg4[%add3A_69, %dma_start3A_74] : memref<4096x12288xf32, #tpu.memory_space<hbm>> -> memref<2x12288xf32, #tpu.memory_space<hbm>>
      %dma_start3A_76 = arith.constant 0 : i32
      %dma_start3A_77 = tpu.memref_slice %arg4[%add3A_69, %dma_start3A_76] : memref<4096x12288xf32, #tpu.memory_space<hbm>> -> memref<2x12288xf32, #tpu.memory_space<hbm>>
      %dma_start3A_78 = arith.constant 0 : i32
      %dma_start3A_79 = arith.constant 0 : i32
      %dma_start3A_80 = tpu.memref_slice %arg6[%rem3A_56, %dma_start3A_78, %dma_start3A_79] : memref<4x2x12288xf32, #tpu.memory_space<vmem>> -> memref<1x2x12288xf32, #tpu.memory_space<vmem>>
      %dma_start3A_81 = tpu.memref_squeeze %dma_start3A_80 : memref<1x2x12288xf32, #tpu.memory_space<vmem>> -> memref<2x12288xf32, #tpu.memory_space<vmem>>
      tpu.enqueue_dma source(%dma_start3A_81 : memref<2x12288xf32, #tpu.memory_space<vmem>>) target(%dma_start3A_77 : memref<2x12288xf32, #tpu.memory_space<hbm>>) target_semaphore(%arg8 : memref<!tpu.dma_semaphore, #tpu.memory_space<semaphore_mem>>)
      %ge3A = arith.constant 1 : i32
      %ge3A_82 = arith.cmpi sge, %scan3A_55, %ge3A : i32
      %convert_element_type3A = arith.extui %ge3A_82 : i1 to i32
      %cond3A = arith.constant 0 : i32
      %cond3A_83 = arith.cmpi ne, %convert_element_type3A, %cond3A : i32
      scf.if %cond3A_83 {
        %dma_wait3A_91 = arith.constant 0 : i32
        %dma_wait3A_92 = arith.constant 0 : i32
        %dma_wait3A_93 = tpu.memref_slice %arg6[%rem3A_56, %dma_wait3A_91, %dma_wait3A_92] : memref<4x2x12288xf32, #tpu.memory_space<vmem>> -> memref<1x2x12288xf32, #tpu.memory_space<vmem>>
        %dma_wait3A_94 = tpu.memref_squeeze %dma_wait3A_93 : memref<1x2x12288xf32, #tpu.memory_space<vmem>> -> memref<2x12288xf32, #tpu.memory_space<vmem>>
        %dma_wait3A_95 = arith.constant 0 : i32
        %dma_wait3A_96 = tpu.memref_slice %arg4[%mul3A_2, %dma_wait3A_95] : memref<4096x12288xf32, #tpu.memory_space<hbm>> -> memref<2x12288xf32, #tpu.memory_space<hbm>>
        %dma_wait3A_97 = arith.constant 0 : i32
        %dma_wait3A_98 = tpu.memref_slice %arg4[%mul3A_2, %dma_wait3A_97] : memref<4096x12288xf32, #tpu.memory_space<hbm>> -> memref<2x12288xf32, #tpu.memory_space<hbm>>
        %dma_wait3A_99 = arith.constant 0 : i32
        %dma_wait3A_100 = arith.constant 0 : i32
        %dma_wait3A_101 = tpu.memref_slice %arg6[%rem3A_56, %dma_wait3A_99, %dma_wait3A_100] : memref<4x2x12288xf32, #tpu.memory_space<vmem>> -> memref<1x2x12288xf32, #tpu.memory_space<vmem>>
        %dma_wait3A_102 = tpu.memref_squeeze %dma_wait3A_101 : memref<1x2x12288xf32, #tpu.memory_space<vmem>> -> memref<2x12288xf32, #tpu.memory_space<vmem>>
        tpu.wait_dma2 semaphore(%arg8 : memref<!tpu.dma_semaphore, #tpu.memory_space<semaphore_mem>>) src(%dma_wait3A_102 : memref<2x12288xf32, #tpu.memory_space<vmem>>) dst(%dma_wait3A_98 : memref<2x12288xf32, #tpu.memory_space<hbm>>)
      } else {
      }
      %add3A_84 = arith.constant 4 : i32
      %add3A_85 = arith.addi %scan3A_55, %add3A_84 : i32
      %sub3A = arith.constant 1 : i32
      %sub3A_86 = arith.subi %add3A_85, %sub3A : i32
      %lt3A = arith.constant 64 : i32
      %lt3A_87 = arith.cmpi slt, %sub3A_86, %lt3A : i32
      %convert_element_type3A_88 = arith.extui %lt3A_87 : i1 to i32
      %cond3A_89 = arith.constant 0 : i32
      %cond3A_90 = arith.cmpi ne, %convert_element_type3A_88, %cond3A_89 : i32
      scf.if %cond3A_90 {
        %add3A_91 = arith.constant 4 : i32
        %add3A_92 = arith.addi %scan3A_55, %add3A_91 : i32
        %sub3A_93 = arith.constant 1 : i32
        %sub3A_94 = arith.subi %add3A_92, %sub3A_93 : i32
        %rem3A_95 = arith.constant 4 : i32
        %rem3A_96 = arith.remsi %sub3A_94, %rem3A_95 : i32
        %add3A_97 = arith.constant 4 : i32
        %add3A_98 = arith.addi %scan3A_55, %add3A_97 : i32
        %sub3A_99 = arith.constant 1 : i32
        %sub3A_100 = arith.subi %add3A_98, %sub3A_99 : i32
        %dma_start3A_101 = arith.constant 0 : i32
        %dma_start3A_102 = arith.constant 0 : i32
        %dma_start3A_103 = tpu.memref_slice %arg6[%rem3A_96, %dma_start3A_101, %dma_start3A_102] : memref<4x2x12288xf32, #tpu.memory_space<vmem>> -> memref<1x2x12288xf32, #tpu.memory_space<vmem>>
        %dma_start3A_104 = tpu.memref_squeeze %dma_start3A_103 : memref<1x2x12288xf32, #tpu.memory_space<vmem>> -> memref<2x12288xf32, #tpu.memory_space<vmem>>
        %dma_start3A_105 = arith.constant 0 : i32
        %dma_start3A_106 = tpu.memref_slice %arg5[%sub3A_100, %dma_start3A_105] : memref<64x2xi32, #tpu.memory_space<vmem>> -> memref<1x2xi32, #tpu.memory_space<vmem>>
        %dma_start3A_107 = tpu.memref_squeeze %dma_start3A_106 : memref<1x2xi32, #tpu.memory_space<vmem>> -> memref<2xi32, #tpu.memory_space<vmem>>
        %dma_start3A_108 = arith.constant 0 : i32
        %dma_start3A_109 = arith.constant 0 : i32
        %dma_start3A_110 = tpu.memref_slice %arg3[%dma_start3A_108, %dma_start3A_109] : memref<1000x12288xf32, #tpu.memory_space<hbm>> -> memref<1000x12288xf32, #tpu.memory_space<hbm>>
        tpu.enqueue_indirect_dma source(%dma_start3A_110 : memref<1000x12288xf32, #tpu.memory_space<hbm>>) target(%dma_start3A_104 : memref<2x12288xf32, #tpu.memory_space<vmem>>) offsets(%dma_start3A_107 : memref<2xi32, #tpu.memory_space<vmem>>) semaphore(%arg7 : memref<!tpu.dma_semaphore, #tpu.memory_space<semaphore_mem>>)
      } else {
      }
    }
    %scan3A_42 = arith.constant 64 : i32
    %dma_wait3A = arith.constant 0 : i32
    %dma_wait3A_43 = arith.constant 0 : i32
    %dma_wait3A_44 = arith.constant 0 : i32
    %dma_wait3A_45 = tpu.memref_slice %arg6[%dma_wait3A, %dma_wait3A_43, %dma_wait3A_44] : memref<4x2x12288xf32, #tpu.memory_space<vmem>> -> memref<1x2x12288xf32, #tpu.memory_space<vmem>>
    %dma_wait3A_46 = tpu.memref_squeeze %dma_wait3A_45 : memref<1x2x12288xf32, #tpu.memory_space<vmem>> -> memref<2x12288xf32, #tpu.memory_space<vmem>>
    %dma_wait3A_47 = arith.constant 0 : i32
    %dma_wait3A_48 = tpu.memref_slice %arg4[%mul3A_2, %dma_wait3A_47] : memref<4096x12288xf32, #tpu.memory_space<hbm>> -> memref<2x12288xf32, #tpu.memory_space<hbm>>
    %dma_wait3A_49 = arith.constant 0 : i32
    %dma_wait3A_50 = tpu.memref_slice %arg4[%mul3A_2, %dma_wait3A_49] : memref<4096x12288xf32, #tpu.memory_space<hbm>> -> memref<2x12288xf32, #tpu.memory_space<hbm>>
    %dma_wait3A_51 = arith.constant 0 : i32
    %dma_wait3A_52 = arith.constant 0 : i32
    %dma_wait3A_53 = tpu.memref_slice %arg6[%dma_wait3A, %dma_wait3A_51, %dma_wait3A_52] : memref<4x2x12288xf32, #tpu.memory_space<vmem>> -> memref<1x2x12288xf32, #tpu.memory_space<vmem>>
    %dma_wait3A_54 = tpu.memref_squeeze %dma_wait3A_53 : memref<1x2x12288xf32, #tpu.memory_space<vmem>> -> memref<2x12288xf32, #tpu.memory_space<vmem>>
    tpu.wait_dma2 semaphore(%arg8 : memref<!tpu.dma_semaphore, #tpu.memory_space<semaphore_mem>>) src(%dma_wait3A_54 : memref<2x12288xf32, #tpu.memory_space<vmem>>) dst(%dma_wait3A_50 : memref<2x12288xf32, #tpu.memory_space<hbm>>)
    return
  }
}

</mosaic_0001>

<sc_bundles>
// kernel: kernel.3.cloned.1.call-start
scs
__scs_entry_jumppad:
0x0: {  	(pc) =	sbr.rel $0x88, $3  }
0x1: {  	(tag) =	ssettag $0x0;
	lr =	simm.s32 $0x1  }
0x2: {  	[smem:$0x3F9F] =	sst lr;
	_ =	strace $0xD0000000  }
0x3: {  	_ = 	snop  }
0x4: {  	_ = 	snop  }
0x5: {  	_ = 	snop  }
0x6: {  	_ = 	snop  }
0x7: {  	_ = 	snop  }
__scs_overlays_trampoline_lowered:
0x8: {  	[smem:$0x3FAE] =	sst s0  }
0x9: {  	[smem:$0x3FAF] =	sst s1  }
0xa: {  	[smem:$0x3FB0] =	sst s2  }
0xb: {  	[smem:$0x3FB1] =	sst s3  }
0xc: {  	[smem:$0x3FB2] =	sst s4  }
0xd: {  	[smem:$0x3FB3] =	sst s5  }
0xe: {  	[smem:$0x3FB4] =	sst s6  }
0xf: {  	[smem:$0x3FB5] =	sst s7  }
0x10: {  	[smem:$0x3FB6] =	sst s8  }
0x11: {  	[smem:$0x3FB7] =	sst s9;
	s0 =	simm.s32 @!p0 $0x0  }
0x12: {  	s1 =	sld [smem:$0x3F9D];
	s0 =	simm.s32 @p0 $0x1  }
0x13: {  	[smem:$0x3FB8] =	sst s0;
	s0 =	simm.s32 @!p1 $0x0  }
0x14: {  	s2 =	sld [smem:$0x3F9C];
	s0 =	simm.s32 @p1 $0x1  }
0x15: {  	[smem:$0x3FB9] =	sst s0;
	s0 =	simm.s32 @!p2 $0x0  }
0x16: {  	s3 =	sld [smem:$0x3FDB];
	s0 =	simm.s32 @p2 $0x1  }
0x17: {  	s4 =	simm.s32 $0x1BF5;
	[smem:$0x3FBB] =	sst s0  }
0x18: {  	s0 =	sld [smem:$0x3F9E];
	_ =	swait.ge [sflag:s4], $0x0  }
0x19: {  	s7 =	sld [smem:$0x3F9F]  }
0x1a: {  	s8 =	sadd.s32 $0xFFFFE003, lr  }
0x1b: {  	s9 =	sadd.s32 $0xFFFFFEF7, lr;
	s5 =	simm.s32 $0xFFFFFFFF;
	p2 =	slt.u32 s8, $0xFFFFF086  }
0x1c: {  	p1 =	slt.u32 s9, $0xF7A;
	s5 =	simm.s32 @!p2 $0x0  }
0x1d: {  	s5 =	simm.s32 @p1 $0x1;
	p0 =	seq.s32 s7, s2  }
0x1e: {  	s7 =	smul.u32 @!p0 $0xF7A, s2;
	p2 =	seq.s32 @!p0 s5, $0x0  }
0x1f: {  	s9 =	smul.u32 $0xF7A, s1;
	s8 =	simm.s32 @!p0 $0x1BF5;
	p2 =	por !p2, p0  }
0x20: {  	[sflag:s8] =	ssyncset.s32 @!p0 $0xFFFFF086;
	s6 =	sadd.s32 @!p0 s3, s7;
	s7 =	simm.s32 @!p0 $0x108  }
0x21: {  	s3 =	sadd.s32 s3, s9;
	s6 =	sadd.s32 @!p0 $0x88, s6;
	s7 =	simm.s32 @p2 $0x1082  }
0x22: {  	[simem:s7], [sflag:s8] =	dma.local @!p0 [hbm:s6], $0xF7A  }
0x23: {  	s9 =	sor.u32 $0xD0000000, s2;
	s6 =	simm.s32 $0x108;
	_ =	swait.ge @!p0 [sflag:s8], $0x0  }
0x24: {  	s3 =	sadd.s32 $0x88, s3;
	s6 =	simm.s32 @!p1 $0x1082;
	[sflag:s4] =	ssyncset.s32 $0xFFFFF086  }
0x25: {  	[simem:s6], [sflag:s4] =	dma.local [hbm:s3], $0xF7A  }
0x26: {  	[smem:$0x3F9F] =	sst s1;
	(tag) =	ssettag s2;
	_ =	strace s9  }
0x27: {  	s1 =	sld [smem:$0x3FAF]  }
0x28: {  	s2 =	sld [smem:$0x3FB0]  }
0x29: {  	s4 =	sld [smem:$0x3FB2]  }
0x2a: {  	p0 =	seq.s32 s5, $0x0;
	s5 =	sld [smem:$0x3FB3]  }
0x2b: {  	s6 =	sld [smem:$0x3FB4]  }
0x2c: {  	s7 =	sld [smem:$0x3FB5]  }
0x2d: {  	s3 =	simm.s32 $0x108;
	s8 =	sld [smem:$0x3FB6]  }
0x2e: {  	s3 =	simm.s32 @!p0 $0x1082;
	s9 =	sld [smem:$0x3FB7]  }
0x2f: {  	lr =	sadd.s32 s0, s3;
	s0 =	sld [smem:$0x3FAE]  }
0x30: {  	s3 =	sld [smem:$0x3FB1]  }
0x31: {  	[smem:$0x3FBA] =	sst s10  }
0x32: {  	s10 =	sld [smem:$0x3FB8];
	_ =	sdelay $0x3  }
0x33: {  	p0 =	seq.s32 s10, $0x1;
	s10 =	sld [smem:$0x3FBA];
	_ =	sdelay $0x3  }
0x34: {  	[smem:$0x3FBA] =	sst s10  }
0x35: {  	s10 =	sld [smem:$0x3FB9];
	_ =	sdelay $0x3  }
0x36: {  	p1 =	seq.s32 s10, $0x1;
	s10 =	sld [smem:$0x3FBA];
	_ =	sdelay $0x3  }
0x37: {  	[smem:$0x3FBA] =	sst s10  }
0x38: {  	s10 =	sld [smem:$0x3FBB]  }
0x39: {  	_ = 	snop;
	(pc) =	sbr.ind lr, $3  }
0x3a: {  	_ = 	snop  }
0x3b: {  	_ = 	snop  }
0x3c: {  	p2 =	seq.s32 s10, $0x1;
	s10 =	sld [smem:$0x3FBA]  }
0x3d: {  	_ =	shalt  }
0x3e: {  	_ =	shalt  }
0x3f: {  	_ =	shalt  }
0x40: {  	_ =	shalt  }
0x41: {  	_ =	shalt  }
0x42: {  	_ =	shalt  }
0x43: {  	_ =	shalt  }
0x44: {  	_ =	shalt  }
0x45: {  	_ =	shalt  }
0x46: {  	_ =	shalt  }
0x47: {  	_ =	shalt  }
0x48: {  	_ =	shalt  }
0x49: {  	_ =	shalt  }
0x4a: {  	_ =	shalt  }
0x4b: {  	_ =	shalt  }
0x4c: {  	_ =	shalt  }
0x4d: {  	_ =	shalt  }
0x4e: {  	_ =	shalt  }
0x4f: {  	_ =	shalt  }
0x50: {  	_ =	shalt  }
0x51: {  	_ =	shalt  }
0x52: {  	_ =	shalt  }
0x53: {  	_ =	shalt  }
0x54: {  	_ =	shalt  }
0x55: {  	_ =	shalt  }
0x56: {  	_ =	shalt  }
0x57: {  	_ =	shalt  }
0x58: {  	_ =	shalt  }
0x59: {  	_ =	shalt  }
0x5a: {  	_ =	shalt  }
0x5b: {  	_ =	shalt  }
0x5c: {  	_ =	shalt  }
0x5d: {  	_ =	shalt  }
0x5e: {  	_ =	shalt  }
0x5f: {  	_ =	shalt  }
0x60: {  	_ =	shalt  }
0x61: {  	_ =	shalt  }
0x62: {  	_ =	shalt  }
0x63: {  	_ =	shalt  }
0x64: {  	_ =	shalt  }
0x65: {  	_ =	shalt  }
0x66: {  	_ =	shalt  }
0x67: {  	_ =	shalt  }
0x68: {  	_ =	shalt  }
0x69: {  	_ =	shalt  }
0x6a: {  	_ =	shalt  }
0x6b: {  	_ =	shalt  }
0x6c: {  	_ =	shalt  }
0x6d: {  	_ =	shalt  }
0x6e: {  	_ =	shalt  }
0x6f: {  	_ =	shalt  }
0x70: {  	_ =	shalt  }
0x71: {  	_ =	shalt  }
0x72: {  	_ =	shalt  }
0x73: {  	_ =	shalt  }
0x74: {  	_ =	shalt  }
0x75: {  	_ =	shalt  }
0x76: {  	_ =	shalt  }
0x77: {  	_ =	shalt  }
0x78: {  	_ =	shalt  }
0x79: {  	_ =	shalt  }
0x7a: {  	_ =	shalt  }
0x7b: {  	_ =	shalt  }
0x7c: {  	_ =	shalt  }
0x7d: {  	_ =	shalt  }
0x7e: {  	_ =	shalt  }
0x7f: {  	_ =	shalt  }
0x80: {  	_ =	shalt  }
0x81: {  	_ =	shalt  }
0x82: {  	_ =	shalt  }
0x83: {  	_ =	shalt  }
0x84: {  	_ =	shalt  }
0x85: {  	_ =	shalt  }
0x86: {  	_ =	shalt  }
0x87: {  	_ =	shalt  }
.Lfunc_end0:
.L_simem_size_0:
called_computation_lowered:
.L_overlay_start_0:
0x88: {  	s2 =	sld [smem:$0x3FD9]  }
0x89: {  	s3 =	sld [smem:$0x3FFE];
	_ =	sdelay $0x1  }
0x8a: {  	s1 =	srdreg.scid  }
0x8b: {  	s0 =	sand.u32 $0x1, s1  }
0x8c: {  	s17 =	sshll.u32 s0, $0xA;
	s2 =	sadd.s32 s3, s2  }
0x8d: {  	s2 =	sadd.s32 s2, s17  }
0x8e: {  	[smem:$0x3FC6] =	sst s2  }
0x8f: {  	_ = 	snop  }
0x90: {  	s2 =	sld [smem:$0x3FC8]  }
0x91: {  	s18 =	sld [smem:$0x3FD0];
	(tm) =	ssettm $0x1  }
0x92: {  	s4 =	sld [smem:$0x3FFB];
	_ =	sdelay $0x3  }
0x93: {  	_ =	strace s4  }
0x94: {  	s4 =	sld [smem:$0x3FFC];
	_ =	sdelay $0x3  }
0x95: {  	_ =	strace s4  }
0x96: {  	s4 =	sld [smem:$0x3FFD];
	_ =	sdelay $0x3  }
0x97: {  	_ =	strace s4  }
0x98: {  	_ =	strace $0x8FFFFFFF  }
0x99: {  	s19 =	sld [smem:$0x3FDB];
	_ =	sdelay $0x1  }
0x9a: {  	s5 =	simm.s32 $_scs_section_size  }
0x9b: {  	s6 =	simm.s32 $_size__tile_overlayer_lowered;
	s7 =	simm.s32 $_tile_overlayer_lowered  }
0x9c: {  	s22 =	simm.s32 $0x1BFF;
	s21 =	sshll.u32 s7, $0x1;
	s4 =	sadd.s32 s5, s19  }
0x9d: {  	s8 =	simm.s32 $0x0;
	s20 =	sshll.u32 s6, $0x1;
	s6 =	sadd.s32 s21, s4  }
0x9e: {  	[timem:s8], [sflag:s22] =	dma.local [hbm:s6], s20  }
0x9f: {  	_ =	swait.ge [sflag:s22], s20  }
0xa0: {  	s5 =	ssub.s32 $0x0, s20;
	[sflag:s22] =	ssyncset.done $0x0  }
0xa1: {  	[sflag:s22] =	ssyncadd.s32 s5;
	_ =	sdelay $0x1  }
0xa2: {  	s23 =	simm.s32 $0x1B8B  }
0xa3: {  	_ =	swait.ge [sflag:s23], $0x1  }
0xa4: {  	[sflag:s23] =	ssyncset.done $0x0  }
0xa5: {  	s25 =	simm.s32 $0x1B8E;
	s24 =	sld [smem:$0x3FFE];
	[sflag:s23] =	ssyncadd.s32 $0xFFFFFFFF  }
0xa6: {  	s26 =	simm.s32 $execute0_lowered;
	[smem:$0x3FD2] =	sst s25  }
0xa7: {  	s6 =	sshll.u32 s26, $0x1;
	_ =	strace $0x80000046;
	[dreg:$0x1] =	wrdreg $0xFFFFFFFF  }
0xa8: {  	s28 =	simm.s32 $_size_execute0_lowered;
	s4 =	sadd.s32 s4, s6;
	[dreg:$0x0] =	wrdreg $0x0  }
0xa9: {  	s6 =	sshll.u32 s28, $0x1;
	[dreg:$0x2] =	wrdreg s4  }
0xaa: {  	[dreg:$0x3] =	wrdreg s6  }
0xab: {  	[dreg:$0x4] =	wrdreg $0xC0  }
0xac: {  	_ =	task [dreg:s8], $0x5FFFF  }
0xad: {  	[dreg:$0x1] =	wrdreg $0xFFFFFFFF  }
0xae: {  	[dreg:$0x0] =	wrdreg $0x60  }
0xaf: {  	[dreg:$0x2] =	wrdreg s18  }
0xb0: {  	[dreg:$0x3] =	wrdreg s2  }
0xb1: {  	[dreg:$0x4] =	wrdreg s24  }
0xb2: {  	[dreg:$0x5] =	wrdreg $0x9  }
0xb3: {  	_ =	task.clear_ibuf [dreg:s8], $0x6FFFF;
	_ =	strace $0x90000046  }
0xb4: {  	s29 =	simm.s32 $0x9;
	_ =	strace $0x80000048  }
0xb5: {  	_ =	swait.ge [sflag:s29], $0x1  }
0xb6: {  	[sflag:s29] =	ssyncadd.s32 $0xFFFFFFFF  }
0xb7: {  	_ =	strace $0x90000048  }
0xb8: {  	_ =	sfence  }
0xb9: {  	s30 =	sld [smem:$0x0];
	_ =	sdelay $0x2  }
0xba: {  	s31 =	sshll.u32 s1, $0xD;
	s1 =	sshrl.u32 s1, $0x2  }
0xbb: {  	s3 =	sand.u32 $0x4000, s31;
	s1 =	sadd.s32 s1, s30  }
0xbc: {  	s0 =	sor.u32 s3, s0;
	s1 =	sshll.u32 s1, $0x11  }
0xbd: {  	s0 =	sor.u32 s1, s0  }
0xbe: {  	s0 =	sadd.s32 $0x8F2B, s0  }
0xbf: {  	[sflag:s0] =	ssyncadd.remote.s32 $0x1  }
0xc0: {  	_ =	sfence.sel $0xFFFF  }
0xc1: {  	[dreg:$0x0] =	wrdreg $0xFFFFFFFF;
	(pc) =	sbr.abs _section_cstart, $3  }
0xc2: {  	[dreg:$0x1] =	wrdreg $0xFFFFFFFF  }
0xc3: {  	_ =	task.clear_ibuf [dreg:s8], $0x2FFFF;
	_ =	strace $0x9FFFFFFF  }
0xc4: {  	(tm) =	ssettm $0x7FFFFFFF  }
0xc5: {  	_ =	shalt  }
tec
execute0_lowered:
.L_overlay_start_1:
0x0: {  	(tag) =	ssettag $0x1  }
0x1: {  	s0 =	rddreg [dreg:$0x0]  }
0x2: {  	s1 =	rddreg [dreg:$0x1]  }
0x3: {  	s2 =	rddreg [dreg:$0x2]  }
0x4: {  	s3 =	simm.s32 $0x0;
	s4 =	srdreg.scid;
	s17 =	stileid.u32  }
0x5: {  	s19 =	simm.s32 $0x3;
	s30 =	simm.s32 $0x13800;
	s31 =	simm.s32 $0x1  }
0x6: {  	s20 =	simm.s32 $0x2;
	s21 =	simm.s32 $0x0;
	[smem:$0x7FF] =	sst s3  }
0x7: {  	s16 =	sand.u32 $0x1, s4;
	s26 =	sshll.u32 s17, $0xB;
	s4 =	sadd.s32 $0x400, s2  }
0x8: {  	s8 =	sadd.s32 $0xC00, s1;
	s9 =	sadd.s32 $0x1000, s1;
	s10 =	sadd.s32 $0x1400, s1  }
0x9: {  	s11 =	sadd.s32 $0x1800, s1;
	s12 =	sadd.s32 $0x1C00, s1;
	s13 =	sadd.s32 $0x2000, s1  }
0xa: {  	s14 =	sadd.s32 $0x2400, s1;
	s15 =	sadd.s32 $0x2800, s1;
	s29 =	sshll.u32 s17, $0x8  }
0xb: {  	s2 =	simm.s32 $0x400;
	s5 =	ssub.s32 $0x2, s16;
	s6 =	sshll.u32 s16, $0xA  }
0xc: {  	_ =	strace $0x80000047;
	s18 =	sshll.u32 s16, $0x7;
	s16 =	sadd.s32 $0x2C00, s1  }
0xd: {  	v0 =	vlaneseq.u32;
	s7 =	sshrl.u32 s5, $0x1;
	s6 =	sor.u32 s6, s26;
	s23 =	sor.u32 s18, s29  }
0xe: {  	v1 =	vshrl.u32 v0, $0x1;
	s28 =	ssub.s32 s5, s7;
	s5 =	sadd.s32 s0, s6;
	s6 =	sadd.s32 $0x400, s1  }
0xf: {  	vm0 =	vmmov $0xffff;
	v0 =	vand.u32 $0x1, v0;
	v1 =	vmul.u32 $0x8, v1;
	s7 =	sadd.s32 $0x800, s1;
	s0 =	simm.s32 $0x100;
	s17 =	smax.u32 s28, $0x1  }
.LBB2_1:
0x10: {  	[tilespmem:s3], [sflag:$0x3] =	stream.linear.gather [hbm4b:s5+s3], $0x2000, $0x38;
	[tilespmem:$0x1A000] =	vst v63  }
0x11: {  	_ =	swait.ge [sflag:s19], $0x2000  }
0x12: {  	[sflag:s19] =	ssyncset.done $0x0  }
0x13: {  	[sflag:s19] =	ssyncadd.s32 $0xFFFFE000  }
0x14: {  	v2 =	vld.msk [tilespmem:$0x0], $0x3;
	_ =	sdelay $0x4  }
0x15: {  	v3 =	vshrl.u32 v2, $0x3  }
0x16: {  	v3 =	vmul.u32 $0x300, v3  }
0x17: {  	v2 =	vand.u32 $0x7, v2  }
0x18: {  	v2 =	vor.u32 v2, v3  }
0x19: {  	v2 =	vperm.xlane v2, v0;
	_ =	sdelay $0x1  }
0x1a: {  	v2 =	vadd.s32 v1, v2;
	_ =	sdelay $0x3  }
0x1b: {  	s18 =	simm.s32 $0x2000  }
0x1c: {  	[tilespmem:s18], [sflag:$0x1] =	stream.indirect_vreg.gather [hbm4b:s1+s3], $0x80, v2, vm0, $0xb8;
	[tilespmem:$0x1A000] =	vst v63  }
0x1d: {  	s25 =	simm.s32 $0x2800  }
0x1e: {  	[tilespmem:s25], [sflag:$0x1] =	stream.indirect_vreg.gather [hbm4b:s6+s3], $0x80, v2, vm0, $0xb8;
	[tilespmem:$0x1A000] =	vst v63  }
0x1f: {  	s26 =	simm.s32 $0x3000  }
0x20: {  	[tilespmem:s26], [sflag:$0x1] =	stream.indirect_vreg.gather [hbm4b:s7+s3], $0x80, v2, vm0, $0xb8;
	[tilespmem:$0x1A000] =	vst v63  }
0x21: {  	s28 =	simm.s32 $0x3800  }
0x22: {  	[tilespmem:s28], [sflag:$0x1] =	stream.indirect_vreg.gather [hbm4b:s8+s3], $0x80, v2, vm0, $0xb8;
	[tilespmem:$0x1A000] =	vst v63  }
0x23: {  	s29 =	simm.s32 $0x4000  }
0x24: {  	[tilespmem:s29], [sflag:$0x1] =	stream.indirect_vreg.gather [hbm4b:s9+s3], $0x80, v2, vm0, $0xb8;
	[tilespmem:$0x1A000] =	vst v63  }
0x25: {  	s22 =	simm.s32 $0x4800  }
0x26: {  	[tilespmem:s22], [sflag:$0x1] =	stream.indirect_vreg.gather [hbm4b:s10+s3], $0x80, v2, vm0, $0xb8;
	[tilespmem:$0x1A000] =	vst v63  }
0x27: {  	s24 =	simm.s32 $0x5000  }
0x28: {  	[tilespmem:s24], [sflag:$0x1] =	stream.indirect_vreg.gather [hbm4b:s11+s3], $0x80, v2, vm0, $0xb8;
	[tilespmem:$0x1A000] =	vst v63  }
0x29: {  	s25 =	simm.s32 $0x5800  }
0x2a: {  	[tilespmem:s25], [sflag:$0x1] =	stream.indirect_vreg.gather [hbm4b:s12+s3], $0x80, v2, vm0, $0xb8;
	[tilespmem:$0x1A000] =	vst v63  }
0x2b: {  	s26 =	simm.s32 $0x6000  }
0x2c: {  	[tilespmem:s26], [sflag:$0x1] =	stream.indirect_vreg.gather [hbm4b:s13+s3], $0x80, v2, vm0, $0xb8;
	[tilespmem:$0x1A000] =	vst v63  }
0x2d: {  	s28 =	simm.s32 $0x6800  }
0x2e: {  	[tilespmem:s28], [sflag:$0x1] =	stream.indirect_vreg.gather [hbm4b:s14+s3], $0x80, v2, vm0, $0xb8;
	[tilespmem:$0x1A000] =	vst v63  }
0x2f: {  	s29 =	simm.s32 $0x7000  }
0x30: {  	[tilespmem:s29], [sflag:$0x1] =	stream.indirect_vreg.gather [hbm4b:s15+s3], $0x80, v2, vm0, $0xb8;
	[tilespmem:$0x1A000] =	vst v63  }
0x31: {  	s22 =	simm.s32 $0x7800  }
0x32: {  	[tilespmem:s22], [sflag:$0x1] =	stream.indirect_vreg.gather [hbm4b:s16+s3], $0x80, v2, vm0, $0xb8;
	[tilespmem:$0x1A000] =	vst v63  }
0x33: {  	v2 =	vld.msk [tilespmem:$0x80], $0x3;
	_ =	sdelay $0x4  }
0x34: {  	v3 =	vshrl.u32 v2, $0x3  }
0x35: {  	v3 =	vmul.u32 $0x300, v3  }
0x36: {  	v2 =	vand.u32 $0x7, v2  }
0x37: {  	v2 =	vor.u32 v2, v3  }
0x38: {  	v2 =	vperm.xlane v2, v0;
	_ =	sdelay $0x1  }
0x39: {  	v2 =	vadd.s32 v1, v2;
	_ =	sdelay $0x3  }
0x3a: {  	s24 =	simm.s32 $0x8000  }
0x3b: {  	[tilespmem:s24], [sflag:$0x1] =	stream.indirect_vreg.gather [hbm4b:s1+s3], $0x80, v2, vm0, $0xb8;
	[tilespmem:$0x1A000] =	vst v63  }
0x3c: {  	s25 =	simm.s32 $0x8800  }
0x3d: {  	[tilespmem:s25], [sflag:$0x1] =	stream.indirect_vreg.gather [hbm4b:s6+s3], $0x80, v2, vm0, $0xb8;
	[tilespmem:$0x1A000] =	vst v63  }
0x3e: {  	s26 =	simm.s32 $0x9000  }
0x3f: {  	[tilespmem:s26], [sflag:$0x1] =	stream.indirect_vreg.gather [hbm4b:s7+s3], $0x80, v2, vm0, $0xb8;
	[tilespmem:$0x1A000] =	vst v63  }
0x40: {  	s28 =	simm.s32 $0x9800  }
0x41: {  	[tilespmem:s28], [sflag:$0x1] =	stream.indirect_vreg.gather [hbm4b:s8+s3], $0x80, v2, vm0, $0xb8;
	[tilespmem:$0x1A000] =	vst v63  }
0x42: {  	s29 =	simm.s32 $0xA000  }
0x43: {  	[tilespmem:s29], [sflag:$0x1] =	stream.indirect_vreg.gather [hbm4b:s9+s3], $0x80, v2, vm0, $0xb8;
	[tilespmem:$0x1A000] =	vst v63  }
0x44: {  	s22 =	simm.s32 $0xA800  }
0x45: {  	[tilespmem:s22], [sflag:$0x1] =	stream.indirect_vreg.gather [hbm4b:s10+s3], $0x80, v2, vm0, $0xb8;
	[tilespmem:$0x1A000] =	vst v63  }
0x46: {  	s24 =	simm.s32 $0xB000  }
0x47: {  	[tilespmem:s24], [sflag:$0x1] =	stream.indirect_vreg.gather [hbm4b:s11+s3], $0x80, v2, vm0, $0xb8;
	[tilespmem:$0x1A000] =	vst v63  }
0x48: {  	s25 =	simm.s32 $0xB800  }
0x49: {  	[tilespmem:s25], [sflag:$0x1] =	stream.indirect_vreg.gather [hbm4b:s12+s3], $0x80, v2, vm0, $0xb8;
	[tilespmem:$0x1A000] =	vst v63  }
0x4a: {  	s26 =	simm.s32 $0xC000  }
0x4b: {  	[tilespmem:s26], [sflag:$0x1] =	stream.indirect_vreg.gather [hbm4b:s13+s3], $0x80, v2, vm0, $0xb8;
	[tilespmem:$0x1A000] =	vst v63  }
0x4c: {  	s28 =	simm.s32 $0xC800  }
0x4d: {  	[tilespmem:s28], [sflag:$0x1] =	stream.indirect_vreg.gather [hbm4b:s14+s3], $0x80, v2, vm0, $0xb8;
	[tilespmem:$0x1A000] =	vst v63  }
0x4e: {  	s29 =	simm.s32 $0xD000  }
0x4f: {  	[tilespmem:s29], [sflag:$0x1] =	stream.indirect_vreg.gather [hbm4b:s15+s3], $0x80, v2, vm0, $0xb8;
	[tilespmem:$0x1A000] =	vst v63  }
0x50: {  	s22 =	simm.s32 $0xD800  }
0x51: {  	[tilespmem:s22], [sflag:$0x1] =	stream.indirect_vreg.gather [hbm4b:s16+s3], $0x80, v2, vm0, $0xb8;
	[tilespmem:$0x1A000] =	vst v63  }
0x52: {  	v2 =	vld.msk [tilespmem:$0x100], $0x3;
	_ =	sdelay $0x4  }
0x53: {  	v3 =	vshrl.u32 v2, $0x3  }
0x54: {  	v3 =	vmul.u32 $0x300, v3  }
0x55: {  	v2 =	vand.u32 $0x7, v2  }
0x56: {  	v2 =	vor.u32 v2, v3  }
0x57: {  	v2 =	vperm.xlane v2, v0;
	_ =	sdelay $0x1  }
0x58: {  	v2 =	vadd.s32 v1, v2;
	_ =	sdelay $0x3  }
0x59: {  	s24 =	simm.s32 $0xE000  }
0x5a: {  	[tilespmem:s24], [sflag:$0x1] =	stream.indirect_vreg.gather [hbm4b:s1+s3], $0x80, v2, vm0, $0xb8;
	[tilespmem:$0x1A000] =	vst v63  }
0x5b: {  	s25 =	simm.s32 $0xE800  }
0x5c: {  	[tilespmem:s25], [sflag:$0x1] =	stream.indirect_vreg.gather [hbm4b:s6+s3], $0x80, v2, vm0, $0xb8;
	[tilespmem:$0x1A000] =	vst v63  }
0x5d: {  	s26 =	simm.s32 $0xF000  }
0x5e: {  	[tilespmem:s26], [sflag:$0x1] =	stream.indirect_vreg.gather [hbm4b:s7+s3], $0x80, v2, vm0, $0xb8;
	[tilespmem:$0x1A000] =	vst v63  }
0x5f: {  	s28 =	simm.s32 $0xF800  }
0x60: {  	[tilespmem:s28], [sflag:$0x1] =	stream.indirect_vreg.gather [hbm4b:s8+s3], $0x80, v2, vm0, $0xb8;
	[tilespmem:$0x1A000] =	vst v63  }
0x61: {  	s29 =	simm.s32 $0x10000  }
0x62: {  	[tilespmem:s29], [sflag:$0x1] =	stream.indirect_vreg.gather [hbm4b:s9+s3], $0x80, v2, vm0, $0xb8;
	[tilespmem:$0x1A000] =	vst v63  }
0x63: {  	s22 =	simm.s32 $0x10800  }
0x64: {  	[tilespmem:s22], [sflag:$0x1] =	stream.indirect_vreg.gather [hbm4b:s10+s3], $0x80, v2, vm0, $0xb8;
	[tilespmem:$0x1A000] =	vst v63  }
0x65: {  	s24 =	simm.s32 $0x11000  }
0x66: {  	[tilespmem:s24], [sflag:$0x1] =	stream.indirect_vreg.gather [hbm4b:s11+s3], $0x80, v2, vm0, $0xb8;
	[tilespmem:$0x1A000] =	vst v63  }
0x67: {  	s25 =	simm.s32 $0x11800  }
0x68: {  	[tilespmem:s25], [sflag:$0x1] =	stream.indirect_vreg.gather [hbm4b:s12+s3], $0x80, v2, vm0, $0xb8;
	[tilespmem:$0x1A000] =	vst v63  }
0x69: {  	s26 =	simm.s32 $0x12000  }
0x6a: {  	[tilespmem:s26], [sflag:$0x1] =	stream.indirect_vreg.gather [hbm4b:s13+s3], $0x80, v2, vm0, $0xb8;
	[tilespmem:$0x1A000] =	vst v63  }
0x6b: {  	s28 =	simm.s32 $0x12800  }
0x6c: {  	[tilespmem:s28], [sflag:$0x1] =	stream.indirect_vreg.gather [hbm4b:s14+s3], $0x80, v2, vm0, $0xb8;
	[tilespmem:$0x1A000] =	vst v63  }
0x6d: {  	s18 =	smov.u32 s23;
	s29 =	simm.s32 $0x13000  }
0x6e: {  	[tilespmem:s29], [sflag:$0x1] =	stream.indirect_vreg.gather [hbm4b:s15+s3], $0x80, v2, vm0, $0xb8;
	[tilespmem:$0x1A000] =	vst v63  }
0x6f: {  	s22 =	simm.s32 $0x180;
	s24 =	simm.s32 $0x0;
	s25 =	simm.s32 $0x0  }
0x70: {  	[tilespmem:s30], [sflag:$0x1] =	stream.indirect_vreg.gather [hbm4b:s16+s3], $0x80, v2, vm0, $0xb8;
	[tilespmem:$0x1A000] =	vst v63  }
.LBB2_2:
0x71: {  	s26 =	sshrl.u32 s18, $0x3  }
0x72: {  	s28 =	sand.u32 $0x3, s25;
	s26 =	smul.u32 $0x18000, s26  }
0x73: {  	s29 =	sand.u32 $0x300, s24;
	s28 =	smul.u32 $0x18000, s28  }
0x74: {  	_ =	swait.ge [sflag:s31], $0x6000;
	p0 =	seq.s32 s25, $0x0;
	s26 =	sor.u32 s29, s26  }
0x75: {  	[sflag:s31] =	ssyncset.done $0x0;
	s28 =	sshrl.u32 s28, $0x2;
	s26 =	sshrl.u32 s26, $0x3  }
0x76: {  	[sflag:s31] =	ssyncadd.s32 $0xFFFFA000;
	s28 =	sadd.s32 $0x2000, s28;
	s26 =	sadd.s32 s4, s26  }
0x77: {  	[hbm4b:s26+s0] =	stream.strided.scatter [tilespmem:s28], [sflag:$0x2], $0x6000, s2, s0, $0x38;
	[tilespmem:$0x1A000] =	vst v63  }
0x78: {  	s26 =	simm.s32 @!p0 $0x2  }
0x79: {  	_ =	swait.ge @!p0 [sflag:s26], $0x6000  }
0x7a: {  	p1 =	sgt.u32 @!p0 s25, $0x3C;
	[sflag:s26] =	ssyncset.done @!p0 $0x0  }
0x7b: {  	p1 =	por p0, !p1;
	[sflag:s26] =	ssyncadd.s32 @!p0 $0xFFFFA000  }
0x7c: {  	v2 =	vld.msk @p1 [tilespmem:s22+$0x0], $0x3;
	_ =	sdelay $0x4  }
0x7d: {  	v3 =	vshrl.u32 @p1 v2, $0x3  }
0x7e: {  	v3 =	vmul.u32 @p1 $0x300, v3  }
0x7f: {  	v2 =	vand.u32 @p1 $0x7, v2  }
0x80: {  	v2 =	vor.u32 @p1 v2, v3  }
0x81: {  	v2 =	vperm.xlane @p1 v2, v0  }
0x82: {  	s26 =	sadd.s32 @p1 $0xFFFFFFFF, s25  }
0x83: {  	s26 =	sand.u32 @p1 $0x3, s26;
	v2 =	vadd.s32 @p1 v1, v2  }
0x84: {  	s26 =	smul.u32 @p1 $0x18000, s26;
	_ =	sdelay $0x1  }
0x85: {  	s26 =	sshrl.u32 @p1 s26, $0x2  }
0x86: {  	s28 =	sadd.s32 @p1 $0x2000, s26  }
0x87: {  	[tilespmem:s28], [sflag:$0x1] =	stream.indirect_vreg.gather @p1 [hbm4b:s1+s3], $0x80, v2, vm0, $0xb8;
	[tilespmem:$0x1A000] =	vst v63  }
0x88: {  	s28 =	sadd.s32 @p1 $0x2800, s26  }
0x89: {  	[tilespmem:s28], [sflag:$0x1] =	stream.indirect_vreg.gather @p1 [hbm4b:s6+s3], $0x80, v2, vm0, $0xb8;
	[tilespmem:$0x1A000] =	vst v63  }
0x8a: {  	s28 =	sadd.s32 @p1 $0x3000, s26  }
0x8b: {  	[tilespmem:s28], [sflag:$0x1] =	stream.indirect_vreg.gather @p1 [hbm4b:s7+s3], $0x80, v2, vm0, $0xb8;
	[tilespmem:$0x1A000] =	vst v63  }
0x8c: {  	s28 =	sadd.s32 @p1 $0x3800, s26  }
0x8d: {  	[tilespmem:s28], [sflag:$0x1] =	stream.indirect_vreg.gather @p1 [hbm4b:s8+s3], $0x80, v2, vm0, $0xb8;
	[tilespmem:$0x1A000] =	vst v63  }
0x8e: {  	s28 =	sadd.s32 @p1 $0x4000, s26  }
0x8f: {  	[tilespmem:s28], [sflag:$0x1] =	stream.indirect_vreg.gather @p1 [hbm4b:s9+s3], $0x80, v2, vm0, $0xb8;
	[tilespmem:$0x1A000] =	vst v63  }
0x90: {  	s28 =	sadd.s32 @p1 $0x4800, s26  }
0x91: {  	[tilespmem:s28], [sflag:$0x1] =	stream.indirect_vreg.gather @p1 [hbm4b:s10+s3], $0x80, v2, vm0, $0xb8;
	[tilespmem:$0x1A000] =	vst v63  }
0x92: {  	s28 =	sadd.s32 @p1 $0x5000, s26  }
0x93: {  	[tilespmem:s28], [sflag:$0x1] =	stream.indirect_vreg.gather @p1 [hbm4b:s11+s3], $0x80, v2, vm0, $0xb8;
	[tilespmem:$0x1A000] =	vst v63  }
0x94: {  	s28 =	sadd.s32 @p1 $0x5800, s26  }
0x95: {  	[tilespmem:s28], [sflag:$0x1] =	stream.indirect_vreg.gather @p1 [hbm4b:s12+s3], $0x80, v2, vm0, $0xb8;
	[tilespmem:$0x1A000] =	vst v63  }
0x96: {  	s25 =	sadd.s32 $0x1, s25;
	s28 =	sadd.s32 @p1 $0x6000, s26  }
0x97: {  	[tilespmem:s28], [sflag:$0x1] =	stream.indirect_vreg.gather @p1 [hbm4b:s13+s3], $0x80, v2, vm0, $0xb8;
	[tilespmem:$0x1A000] =	vst v63  }
0x98: {  	p0 =	sne.s32 s25, $0x40;
	s28 =	sadd.s32 @p1 $0x6800, s26  }
0x99: {  	[tilespmem:s28], [sflag:$0x1] =	stream.indirect_vreg.gather @p1 [hbm4b:s14+s3], $0x80, v2, vm0, $0xb8;
	[tilespmem:$0x1A000] =	vst v63  }
.Ltmp0:
0x9a: {  	_ = 	snop;
	(pc) =	sbr.rel @p0 .LBB2_2-.Ltmp0, $4  }
0x9b: {  	s24 =	sadd.s32 $0x100, s24;
	s28 =	sadd.s32 @p1 $0x7000, s26  }
0x9c: {  	[tilespmem:s28], [sflag:$0x1] =	stream.indirect_vreg.gather @p1 [hbm4b:s15+s3], $0x80, v2, vm0, $0xb8;
	[tilespmem:$0x1A000] =	vst v63  }
0x9d: {  	s18 =	sadd.s32 $0x2, s18;
	s22 =	sadd.s32 $0x80, s22;
	s26 =	sadd.s32 @p1 $0x7800, s26  }
0x9e: {  	[tilespmem:s26], [sflag:$0x1] =	stream.indirect_vreg.gather @p1 [hbm4b:s16+s3], $0x80, v2, vm0, $0xb8;
	[tilespmem:$0x1A000] =	vst v63  }
0x9f: {  	s21 =	sadd.s32 $0x1, s21  }
0xa0: {  	p0 =	sne.s32 s21, s17  }
.Ltmp1:
0xa1: {  	_ = 	snop;
	(pc) =	sbr.rel @p0 .LBB2_1-.Ltmp1, $4  }
0xa2: {  	_ = 	snop  }
0xa3: {  	_ =	swait.ge [sflag:s20], $0x6000  }
0xa4: {  	[sflag:s20] =	ssyncset.done $0x0  }
0xa5: {  	[sflag:s20] =	ssyncadd.s32 $0xFFFFA000  }
0xa6: {  	_ =	sfence.sel $0x180000  }
0xa7: {  	[bflag:$0x0] =	sbarrier.arrive $0xFFFF  }
0xa8: {  	_ =	strace $0x90000047  }
0xa9: {  	s0 =	stileid.u32;
	[bflag:$0x2] =	sbarrier.arrive $0xFFFF  }
0xaa: {  	p0 =	sne.s32 s0, $0x0;
	s0 =	rddreg [dreg:$0x3]  }
0xab: {  	s0 =	sadd.s32 @!p0 $0x100000, s0  }
0xac: {  	[sflag:s0] =	ssyncadd.tile.s32 @!p0 $0x1;
	_ =	shalt  }
.Lfunc_end2:
_tile_overlayer_lowered:
.L_overlay_start_2:
0xad: {  	(tag) =	ssettag $0x2  }
0xae: {  	s0 =	rddreg [dreg:$0x0];
	s2 =	stileid.u32  }
0xaf: {  	s1 =	rddreg [dreg:$0x1];
	p0 =	sne.s32 s2, $0x0  }
0xb0: {  	s3 =	rddreg [dreg:$0x2];
	[bflag:$0x3] =	sbarrier.arrive $0xFFFF;
	s2 =	simm.s32 @!p0 $0x1C03  }
0xb1: {  	[timem:s3], [sflag:s2] =	dma.local @!p0 [hbm:s0], s1  }
0xb2: {  	s0 =	simm.s32 @!p0 $0x3  }
0xb3: {  	_ =	swait.ge @!p0 [sflag:s0], s1  }
0xb4: {  	s1 =	ssub.s32 @!p0 $0x0, s1;
	[sflag:s0] =	ssyncset.done @!p0 $0x0  }
0xb5: {  	[sflag:s0] =	ssyncadd.s32 @!p0 s1  }
0xb6: {  	[bflag:$0x3] =	sbarrier.arrive $0xFFFF  }
0xb7: {  	_ =	shalt  }

</sc_bundles>
